<compile_context>
chip_gen: v7x
topology: tpu7x:2x2x1
jax: 0.10.2.dev20260603
libtpu: 0.0.44.dev20260713+nightly
codegen_flags: <defaults>
</compile_context>

<pallas_src>
import functools

import jax
import jax.numpy as jnp
from jax import lax
from jax.experimental import pallas as pl
from jax.experimental.pallas import tpu as pltpu
from jax.experimental.pallas import tpu_sc as plsc


def _make_sc_broadcast(B, L, D, NC, NS):
    NW = NC * NS
    rows_per_w = B // NW
    row_words = L * D
    rep = 1
    for cand in range(min(rows_per_w, (120 * 1024) // row_words), 0, -1):
        if rows_per_w % cand == 0 and cand * row_words * 4 <= 480 * 1024:
            rep = cand
            break
    n_dma = rows_per_w // rep

    mesh = plsc.VectorSubcoreMesh(core_axis_name="c", subcore_axis_name="s")

    @functools.partial(
        pl.kernel,
        mesh=mesh,
        out_type=jax.ShapeDtypeStruct((B, row_words), jnp.float32),
        scratch_types=[
            pltpu.VMEM((rep, row_words), jnp.float32),
            pltpu.SemaphoreType.DMA,
        ],
    )
    def k(table_hbm, out_hbm, buf, sem):
        wid = lax.axis_index("s") * NC + lax.axis_index("c")
        pltpu.sync_copy(table_hbm, buf.at[0])

        def replicate(i, carry):
            v = buf[0, pl.ds(i * 16, 16)]
            for r in range(1, rep):
                buf[r, pl.ds(i * 16, 16)] = v
            return carry

        lax.fori_loop(0, row_words // 16, replicate, 0)
        copies = [
            pltpu.async_copy(
                buf, out_hbm.at[pl.ds((i * NW + wid) * rep, rep)], sem
            )
            for i in range(n_dma)
        ]
        for c in copies:
            c.wait()

    return k


def kernel(x, pos_table):
    B, L = x.shape
    D = pos_table.shape[1]
    info = plsc.get_sparse_core_info()
    NC, NS = info.num_cores, info.num_subcores
    table_flat = pos_table[:L].reshape(L * D)
    out = _make_sc_broadcast(B, L, D, NC, NS)(table_flat)
    return out.reshape(B, L, D)

# --- scband reference (transcript-rebuilt; emitter-appended) ---
"""Pipeline reference for scband-position-wise-embedding-558345748554 (READ-ONLY COPY).

The authoritative reference and input builder live on the scoring server;
editing this copy changes nothing except your own understanding.
"""

import jax, jax.numpy as jnp
import numpy as np

VOCAB_SIZE = 100000
EMBEDDING_DIM = 64
MAX_LEN = 200
BATCH = 4096
SEQ_LEN = 200

def setup_inputs(seed: int = 0) -> dict:
    key = jax.random.key(seed)
    k_x, k_tab = jax.random.split(key)
    x = jax.random.randint(k_x, (BATCH, SEQ_LEN), 0, VOCAB_SIZE, dtype=jnp.int64) if jax.config.jax_enable_x64 else jax.random.randint(k_x, (BATCH, SEQ_LEN), 0, VOCAB_SIZE, dtype=jnp.int32)
    pos_table = jax.random.normal(k_tab, (MAX_LEN, EMBEDDING_DIM), dtype=jnp.float32)
    return {"x": x, "pos_table": pos_table}

def reference(x, pos_table):
    batch_size = x.shape[0]
    inputs_len = x.shape[1]
    # pos = arange(0, L).unsqueeze(0).repeat(B, 1)
    pos = jnp.broadcast_to(jnp.arange(inputs_len, dtype=jnp.int32)[None, :], (batch_size, inputs_len))
    # embedding lookup: gather rows of pos_table
    pos_embedding = jnp.take(pos_table, pos, axis=0)
    return pos_embedding

if __name__ == "__main__":
    import jax
    _d = setup_inputs()
    print(jax.jit(kernel)(*tuple(_d.values())))

</pallas_src>

<mosaic_0001>
#map = affine_map<(d0, d1) -> (0)>
#map1 = affine_map<(d0, d1) -> (0, 0)>
module attributes {stable_mosaic.version = 14 : i64} {
  func.func @k(%arg0: i32, %arg1: i32, %arg2: memref<12800xf32, #tpu.memory_space<hbm>>, %arg3: memref<4096x12800xf32, #tpu.memory_space<hbm>>, %arg4: memref<8x12800xf32, #tpu.memory_space<vmem>>, %arg5: memref<!tpu.dma_semaphore, #tpu.memory_space<semaphore_mem>>) attributes {dimension_semantics = [#tpu.dimension_semantics<core_parallel>, #tpu.dimension_semantics<subcore_parallel>], iteration_bounds = array<i64: 2, 16>, scalar_prefetch = 0 : i64, scratch_operands = 2 : i64, tpu.core_type = #tpu.core_type<sc_vector_subcore>, window_params = [{transform_indices = #map}, {transform_indices = #map1}]} {
    %mul3A = arith.constant 2 : i32
    %mul3A_0 = arith.muli %arg1, %mul3A : i32
    %add3A = arith.addi %mul3A_0, %arg0 : i32
    %run_scoped3A = arith.constant 0 : i32
    "tpu.region"() ({
      %run_scoped3A_196 = tpu.sem_alloc : memref<!tpu.dma_semaphore, #tpu.memory_space<semaphore_mem>>
      %dma_start3A_197 = arith.constant 0 : i32
      %dma_start3A_198 = tpu.memref_slice %arg4[%run_scoped3A, %dma_start3A_197] : memref<8x12800xf32, #tpu.memory_space<vmem>> -> memref<1x12800xf32, #tpu.memory_space<vmem>>
      %dma_start3A_199 = tpu.memref_squeeze %dma_start3A_198 : memref<1x12800xf32, #tpu.memory_space<vmem>> -> memref<12800xf32, #tpu.memory_space<vmem>>
      %dma_start3A_200 = arith.constant 0 : i32
      %dma_start3A_201 = tpu.memref_slice %arg4[%run_scoped3A, %dma_start3A_200] : memref<8x12800xf32, #tpu.memory_space<vmem>> -> memref<1x12800xf32, #tpu.memory_space<vmem>>
      %dma_start3A_202 = tpu.memref_squeeze %dma_start3A_201 : memref<1x12800xf32, #tpu.memory_space<vmem>> -> memref<12800xf32, #tpu.memory_space<vmem>>
      tpu.enqueue_dma source(%arg2 : memref<12800xf32, #tpu.memory_space<hbm>>) target(%dma_start3A_202 : memref<12800xf32, #tpu.memory_space<vmem>>) target_semaphore(%run_scoped3A_196 : memref<!tpu.dma_semaphore, #tpu.memory_space<semaphore_mem>>)
      %dma_wait3A_203 = arith.constant 0 : i32
      %dma_wait3A_204 = tpu.memref_slice %arg4[%run_scoped3A, %dma_wait3A_203] : memref<8x12800xf32, #tpu.memory_space<vmem>> -> memref<1x12800xf32, #tpu.memory_space<vmem>>
      %dma_wait3A_205 = tpu.memref_squeeze %dma_wait3A_204 : memref<1x12800xf32, #tpu.memory_space<vmem>> -> memref<12800xf32, #tpu.memory_space<vmem>>
      %dma_wait3A_206 = arith.constant 0 : i32
      %dma_wait3A_207 = tpu.memref_slice %arg4[%run_scoped3A, %dma_wait3A_206] : memref<8x12800xf32, #tpu.memory_space<vmem>> -> memref<1x12800xf32, #tpu.memory_space<vmem>>
      %dma_wait3A_208 = tpu.memref_squeeze %dma_wait3A_207 : memref<1x12800xf32, #tpu.memory_space<vmem>> -> memref<12800xf32, #tpu.memory_space<vmem>>
      tpu.wait_dma2 semaphore(%run_scoped3A_196 : memref<!tpu.dma_semaphore, #tpu.memory_space<semaphore_mem>>) src(%arg2 : memref<12800xf32, #tpu.memory_space<hbm>>) dst(%dma_wait3A_208 : memref<12800xf32, #tpu.memory_space<vmem>>)
      tpu.yield
    }) : () -> ()
    %scan3A = arith.constant 0 : i32
    %scan3A_1 = arith.constant 0 : i32
    %scan3A_2 = arith.constant 800 : i32
    %scan3A_3 = arith.addi %scan3A_1, %scan3A_2 : i32
    %scan3A_4 = arith.constant 1 : i32
    scf.for %scan3A_196 = %scan3A_1 to %scan3A_3 step %scan3A_4  : i32 {
      %mul3A_197 = arith.constant 16 : i32
      %mul3A_198 = arith.muli %scan3A_196, %mul3A_197 : i32
      %get3A = arith.constant 0 : i32
      %get3A_199 = arith.index_cast %get3A : i32 to index
      %get3A_200 = arith.index_cast %mul3A_198 : i32 to index
      %get3A_201 = tpu.vector_load %arg4[%get3A_199, %get3A_200] {strides = array<i32>} : memref<8x12800xf32, #tpu.memory_space<vmem>>, vector<1x16xf32>,
      %get3A_202 = vector.shape_cast %get3A_201 : vector<1x16xf32> to vector<16xf32>
      %mul3A_203 = arith.constant 16 : i32
      %mul3A_204 = arith.muli %scan3A_196, %mul3A_203 : i32
      %swap3A = arith.constant 1 : i32
      %swap3A_205 = arith.index_cast %swap3A : i32 to index
      %swap3A_206 = arith.index_cast %mul3A_204 : i32 to index
      %swap3A_207 = tpu.vector_load %arg4[%swap3A_205, %swap3A_206] {strides = array<i32>} : memref<8x12800xf32, #tpu.memory_space<vmem>>, vector<1x16xf32>,
      %swap3A_208 = vector.shape_cast %swap3A_207 : vector<1x16xf32> to vector<16xf32>
      %swap3A_209 = vector.shape_cast %get3A_202 : vector<16xf32> to vector<1x16xf32>
      tpu.vector_store %arg4[%swap3A_205, %swap3A_206], %swap3A_209 {strides = array<i32>} : memref<8x12800xf32, #tpu.memory_space<vmem>>, vector<1x16xf32>,
      %mul3A_210 = arith.constant 16 : i32
      %mul3A_211 = arith.muli %scan3A_196, %mul3A_210 : i32
      %swap3A_212 = arith.constant 2 : i32
      %swap3A_213 = arith.index_cast %swap3A_212 : i32 to index
      %swap3A_214 = arith.index_cast %mul3A_211 : i32 to index
      %swap3A_215 = tpu.vector_load %arg4[%swap3A_213, %swap3A_214] {strides = array<i32>} : memref<8x12800xf32, #tpu.memory_space<vmem>>, vector<1x16xf32>,
      %swap3A_216 = vector.shape_cast %swap3A_215 : vector<1x16xf32> to vector<16xf32>
      %swap3A_217 = vector.shape_cast %get3A_202 : vector<16xf32> to vector<1x16xf32>
      tpu.vector_store %arg4[%swap3A_213, %swap3A_214], %swap3A_217 {strides = array<i32>} : memref<8x12800xf32, #tpu.memory_space<vmem>>, vector<1x16xf32>,
      %mul3A_218 = arith.constant 16 : i32
      %mul3A_219 = arith.muli %scan3A_196, %mul3A_218 : i32
      %swap3A_220 = arith.constant 3 : i32
      %swap3A_221 = arith.index_cast %swap3A_220 : i32 to index
      %swap3A_222 = arith.index_cast %mul3A_219 : i32 to index
      %swap3A_223 = tpu.vector_load %arg4[%swap3A_221, %swap3A_222] {strides = array<i32>} : memref<8x12800xf32, #tpu.memory_space<vmem>>, vector<1x16xf32>,
      %swap3A_224 = vector.shape_cast %swap3A_223 : vector<1x16xf32> to vector<16xf32>
      %swap3A_225 = vector.shape_cast %get3A_202 : vector<16xf32> to vector<1x16xf32>
      tpu.vector_store %arg4[%swap3A_221, %swap3A_222], %swap3A_225 {strides = array<i32>} : memref<8x12800xf32, #tpu.memory_space<vmem>>, vector<1x16xf32>,
      %mul3A_226 = arith.constant 16 : i32
      %mul3A_227 = arith.muli %scan3A_196, %mul3A_226 : i32
      %swap3A_228 = arith.constant 4 : i32
      %swap3A_229 = arith.index_cast %swap3A_228 : i32 to index
      %swap3A_230 = arith.index_cast %mul3A_227 : i32 to index
      %swap3A_231 = tpu.vector_load %arg4[%swap3A_229, %swap3A_230] {strides = array<i32>} : memref<8x12800xf32, #tpu.memory_space<vmem>>, vector<1x16xf32>,
      %swap3A_232 = vector.shape_cast %swap3A_231 : vector<1x16xf32> to vector<16xf32>
      %swap3A_233 = vector.shape_cast %get3A_202 : vector<16xf32> to vector<1x16xf32>
      tpu.vector_store %arg4[%swap3A_229, %swap3A_230], %swap3A_233 {strides = array<i32>} : memref<8x12800xf32, #tpu.memory_space<vmem>>, vector<1x16xf32>,
      %mul3A_234 = arith.constant 16 : i32
      %mul3A_235 = arith.muli %scan3A_196, %mul3A_234 : i32
      %swap3A_236 = arith.constant 5 : i32
      %swap3A_237 = arith.index_cast %swap3A_236 : i32 to index
      %swap3A_238 = arith.index_cast %mul3A_235 : i32 to index
      %swap3A_239 = tpu.vector_load %arg4[%swap3A_237, %swap3A_238] {strides = array<i32>} : memref<8x12800xf32, #tpu.memory_space<vmem>>, vector<1x16xf32>,
      %swap3A_240 = vector.shape_cast %swap3A_239 : vector<1x16xf32> to vector<16xf32>
      %swap3A_241 = vector.shape_cast %get3A_202 : vector<16xf32> to vector<1x16xf32>
      tpu.vector_store %arg4[%swap3A_237, %swap3A_238], %swap3A_241 {strides = array<i32>} : memref<8x12800xf32, #tpu.memory_space<vmem>>, vector<1x16xf32>,
      %mul3A_242 = arith.constant 16 : i32
      %mul3A_243 = arith.muli %scan3A_196, %mul3A_242 : i32
      %swap3A_244 = arith.constant 6 : i32
      %swap3A_245 = arith.index_cast %swap3A_244 : i32 to index
      %swap3A_246 = arith.index_cast %mul3A_243 : i32 to index
      %swap3A_247 = tpu.vector_load %arg4[%swap3A_245, %swap3A_246] {strides = array<i32>} : memref<8x12800xf32, #tpu.memory_space<vmem>>, vector<1x16xf32>,
      %swap3A_248 = vector.shape_cast %swap3A_247 : vector<1x16xf32> to vector<16xf32>
      %swap3A_249 = vector.shape_cast %get3A_202 : vector<16xf32> to vector<1x16xf32>
      tpu.vector_store %arg4[%swap3A_245, %swap3A_246], %swap3A_249 {strides = array<i32>} : memref<8x12800xf32, #tpu.memory_space<vmem>>, vector<1x16xf32>,
      %mul3A_250 = arith.constant 16 : i32
      %mul3A_251 = arith.muli %scan3A_196, %mul3A_250 : i32
      %swap3A_252 = arith.constant 7 : i32
      %swap3A_253 = arith.index_cast %swap3A_252 : i32 to index
      %swap3A_254 = arith.index_cast %mul3A_251 : i32 to index
      %swap3A_255 = tpu.vector_load %arg4[%swap3A_253, %swap3A_254] {strides = array<i32>} : memref<8x12800xf32, #tpu.memory_space<vmem>>, vector<1x16xf32>,
      %swap3A_256 = vector.shape_cast %swap3A_255 : vector<1x16xf32> to vector<16xf32>
      %swap3A_257 = vector.shape_cast %get3A_202 : vector<16xf32> to vector<1x16xf32>
      tpu.vector_store %arg4[%swap3A_253, %swap3A_254], %swap3A_257 {strides = array<i32>} : memref<8x12800xf32, #tpu.memory_space<vmem>>, vector<1x16xf32>,
    }
    %scan3A_5 = arith.constant 800 : i32
    %add3A_6 = arith.constant 0 : i32
    %add3A_7 = arith.addi %add3A_6, %add3A : i32
    %mul3A_8 = arith.constant 8 : i32
    %mul3A_9 = arith.muli %add3A_7, %mul3A_8 : i32
    %dma_start3A = arith.constant 0 : i32
    %dma_start3A_10 = tpu.memref_slice %arg3[%mul3A_9, %dma_start3A] : memref<4096x12800xf32, #tpu.memory_space<hbm>> -> memref<8x12800xf32, #tpu.memory_space<hbm>>
    %dma_start3A_11 = arith.constant 0 : i32
    %dma_start3A_12 = tpu.memref_slice %arg3[%mul3A_9, %dma_start3A_11] : memref<4096x12800xf32, #tpu.memory_space<hbm>> -> memref<8x12800xf32, #tpu.memory_space<hbm>>
    tpu.enqueue_dma source(%arg4 : memref<8x12800xf32, #tpu.memory_space<vmem>>) target(%dma_start3A_12 : memref<8x12800xf32, #tpu.memory_space<hbm>>) target_semaphore(%arg5 : memref<!tpu.dma_semaphore, #tpu.memory_space<semaphore_mem>>)
    %add3A_13 = arith.constant 32 : i32
    %add3A_14 = arith.addi %add3A_13, %add3A : i32
    %mul3A_15 = arith.constant 8 : i32
    %mul3A_16 = arith.muli %add3A_14, %mul3A_15 : i32
    %dma_start3A_17 = arith.constant 0 : i32
    %dma_start3A_18 = tpu.memref_slice %arg3[%mul3A_16, %dma_start3A_17] : memref<4096x12800xf32, #tpu.memory_space<hbm>> -> memref<8x12800xf32, #tpu.memory_space<hbm>>
    %dma_start3A_19 = arith.constant 0 : i32
    %dma_start3A_20 = tpu.memref_slice %arg3[%mul3A_16, %dma_start3A_19] : memref<4096x12800xf32, #tpu.memory_space<hbm>> -> memref<8x12800xf32, #tpu.memory_space<hbm>>
    tpu.enqueue_dma source(%arg4 : memref<8x12800xf32, #tpu.memory_space<vmem>>) target(%dma_start3A_20 : memref<8x12800xf32, #tpu.memory_space<hbm>>) target_semaphore(%arg5 : memref<!tpu.dma_semaphore, #tpu.memory_space<semaphore_mem>>)
    %add3A_21 = arith.constant 64 : i32
    %add3A_22 = arith.addi %add3A_21, %add3A : i32
    %mul3A_23 = arith.constant 8 : i32
    %mul3A_24 = arith.muli %add3A_22, %mul3A_23 : i32
    %dma_start3A_25 = arith.constant 0 : i32
    %dma_start3A_26 = tpu.memref_slice %arg3[%mul3A_24, %dma_start3A_25] : memref<4096x12800xf32, #tpu.memory_space<hbm>> -> memref<8x12800xf32, #tpu.memory_space<hbm>>
    %dma_start3A_27 = arith.constant 0 : i32
    %dma_start3A_28 = tpu.memref_slice %arg3[%mul3A_24, %dma_start3A_27] : memref<4096x12800xf32, #tpu.memory_space<hbm>> -> memref<8x12800xf32, #tpu.memory_space<hbm>>
    tpu.enqueue_dma source(%arg4 : memref<8x12800xf32, #tpu.memory_space<vmem>>) target(%dma_start3A_28 : memref<8x12800xf32, #tpu.memory_space<hbm>>) target_semaphore(%arg5 : memref<!tpu.dma_semaphore, #tpu.memory_space<semaphore_mem>>)
    %add3A_29 = arith.constant 96 : i32
    %add3A_30 = arith.addi %add3A_29, %add3A : i32
    %mul3A_31 = arith.constant 8 : i32
    %mul3A_32 = arith.muli %add3A_30, %mul3A_31 : i32
    %dma_start3A_33 = arith.constant 0 : i32
    %dma_start3A_34 = tpu.memref_slice %arg3[%mul3A_32, %dma_start3A_33] : memref<4096x12800xf32, #tpu.memory_space<hbm>> -> memref<8x12800xf32, #tpu.memory_space<hbm>>
    %dma_start3A_35 = arith.constant 0 : i32
    %dma_start3A_36 = tpu.memref_slice %arg3[%mul3A_32, %dma_start3A_35] : memref<4096x12800xf32, #tpu.memory_space<hbm>> -> memref<8x12800xf32, #tpu.memory_space<hbm>>
    tpu.enqueue_dma source(%arg4 : memref<8x12800xf32, #tpu.memory_space<vmem>>) target(%dma_start3A_36 : memref<8x12800xf32, #tpu.memory_space<hbm>>) target_semaphore(%arg5 : memref<!tpu.dma_semaphore, #tpu.memory_space<semaphore_mem>>)
    %add3A_37 = arith.constant 128 : i32
    %add3A_38 = arith.addi %add3A_37, %add3A : i32
    %mul3A_39 = arith.constant 8 : i32
    %mul3A_40 = arith.muli %add3A_38, %mul3A_39 : i32
    %dma_start3A_41 = arith.constant 0 : i32
    %dma_start3A_42 = tpu.memref_slice %arg3[%mul3A_40, %dma_start3A_41] : memref<4096x12800xf32, #tpu.memory_space<hbm>> -> memref<8x12800xf32, #tpu.memory_space<hbm>>
    %dma_start3A_43 = arith.constant 0 : i32
    %dma_start3A_44 = tpu.memref_slice %arg3[%mul3A_40, %dma_start3A_43] : memref<4096x12800xf32, #tpu.memory_space<hbm>> -> memref<8x12800xf32, #tpu.memory_space<hbm>>
    tpu.enqueue_dma source(%arg4 : memref<8x12800xf32, #tpu.memory_space<vmem>>) target(%dma_start3A_44 : memref<8x12800xf32, #tpu.memory_space<hbm>>) target_semaphore(%arg5 : memref<!tpu.dma_semaphore, #tpu.memory_space<semaphore_mem>>)
    %add3A_45 = arith.constant 160 : i32
    %add3A_46 = arith.addi %add3A_45, %add3A : i32
    %mul3A_47 = arith.constant 8 : i32
    %mul3A_48 = arith.muli %add3A_46, %mul3A_47 : i32
    %dma_start3A_49 = arith.constant 0 : i32
    %dma_start3A_50 = tpu.memref_slice %arg3[%mul3A_48, %dma_start3A_49] : memref<4096x12800xf32, #tpu.memory_space<hbm>> -> memref<8x12800xf32, #tpu.memory_space<hbm>>
    %dma_start3A_51 = arith.constant 0 : i32
    %dma_start3A_52 = tpu.memref_slice %arg3[%mul3A_48, %dma_start3A_51] : memref<4096x12800xf32, #tpu.memory_space<hbm>> -> memref<8x12800xf32, #tpu.memory_space<hbm>>
    tpu.enqueue_dma source(%arg4 : memref<8x12800xf32, #tpu.memory_space<vmem>>) target(%dma_start3A_52 : memref<8x12800xf32, #tpu.memory_space<hbm>>) target_semaphore(%arg5 : memref<!tpu.dma_semaphore, #tpu.memory_space<semaphore_mem>>)
    %add3A_53 = arith.constant 192 : i32
    %add3A_54 = arith.addi %add3A_53, %add3A : i32
    %mul3A_55 = arith.constant 8 : i32
    %mul3A_56 = arith.muli %add3A_54, %mul3A_55 : i32
    %dma_start3A_57 = arith.constant 0 : i32
    %dma_start3A_58 = tpu.memref_slice %arg3[%mul3A_56, %dma_start3A_57] : memref<4096x12800xf32, #tpu.memory_space<hbm>> -> memref<8x12800xf32, #tpu.memory_space<hbm>>
    %dma_start3A_59 = arith.constant 0 : i32
    %dma_start3A_60 = tpu.memref_slice %arg3[%mul3A_56, %dma_start3A_59] : memref<4096x12800xf32, #tpu.memory_space<hbm>> -> memref<8x12800xf32, #tpu.memory_space<hbm>>
    tpu.enqueue_dma source(%arg4 : memref<8x12800xf32, #tpu.memory_space<vmem>>) target(%dma_start3A_60 : memref<8x12800xf32, #tpu.memory_space<hbm>>) target_semaphore(%arg5 : memref<!tpu.dma_semaphore, #tpu.memory_space<semaphore_mem>>)
    %add3A_61 = arith.constant 224 : i32
    %add3A_62 = arith.addi %add3A_61, %add3A : i32
    %mul3A_63 = arith.constant 8 : i32
    %mul3A_64 = arith.muli %add3A_62, %mul3A_63 : i32
    %dma_start3A_65 = arith.constant 0 : i32
    %dma_start3A_66 = tpu.memref_slice %arg3[%mul3A_64, %dma_start3A_65] : memref<4096x12800xf32, #tpu.memory_space<hbm>> -> memref<8x12800xf32, #tpu.memory_space<hbm>>
    %dma_start3A_67 = arith.constant 0 : i32
    %dma_start3A_68 = tpu.memref_slice %arg3[%mul3A_64, %dma_start3A_67] : memref<4096x12800xf32, #tpu.memory_space<hbm>> -> memref<8x12800xf32, #tpu.memory_space<hbm>>
    tpu.enqueue_dma source(%arg4 : memref<8x12800xf32, #tpu.memory_space<vmem>>) target(%dma_start3A_68 : memref<8x12800xf32, #tpu.memory_space<hbm>>) target_semaphore(%arg5 : memref<!tpu.dma_semaphore, #tpu.memory_space<semaphore_mem>>)
    %add3A_69 = arith.constant 256 : i32
    %add3A_70 = arith.addi %add3A_69, %add3A : i32
    %mul3A_71 = arith.constant 8 : i32
    %mul3A_72 = arith.muli %add3A_70, %mul3A_71 : i32
    %dma_start3A_73 = arith.constant 0 : i32
    %dma_start3A_74 = tpu.memref_slice %arg3[%mul3A_72, %dma_start3A_73] : memref<4096x12800xf32, #tpu.memory_space<hbm>> -> memref<8x12800xf32, #tpu.memory_space<hbm>>
    %dma_start3A_75 = arith.constant 0 : i32
    %dma_start3A_76 = tpu.memref_slice %arg3[%mul3A_72, %dma_start3A_75] : memref<4096x12800xf32, #tpu.memory_space<hbm>> -> memref<8x12800xf32, #tpu.memory_space<hbm>>
    tpu.enqueue_dma source(%arg4 : memref<8x12800xf32, #tpu.memory_space<vmem>>) target(%dma_start3A_76 : memref<8x12800xf32, #tpu.memory_space<hbm>>) target_semaphore(%arg5 : memref<!tpu.dma_semaphore, #tpu.memory_space<semaphore_mem>>)
    %add3A_77 = arith.constant 288 : i32
    %add3A_78 = arith.addi %add3A_77, %add3A : i32
    %mul3A_79 = arith.constant 8 : i32
    %mul3A_80 = arith.muli %add3A_78, %mul3A_79 : i32
    %dma_start3A_81 = arith.constant 0 : i32
    %dma_start3A_82 = tpu.memref_slice %arg3[%mul3A_80, %dma_start3A_81] : memref<4096x12800xf32, #tpu.memory_space<hbm>> -> memref<8x12800xf32, #tpu.memory_space<hbm>>
    %dma_start3A_83 = arith.constant 0 : i32
    %dma_start3A_84 = tpu.memref_slice %arg3[%mul3A_80, %dma_start3A_83] : memref<4096x12800xf32, #tpu.memory_space<hbm>> -> memref<8x12800xf32, #tpu.memory_space<hbm>>
    tpu.enqueue_dma source(%arg4 : memref<8x12800xf32, #tpu.memory_space<vmem>>) target(%dma_start3A_84 : memref<8x12800xf32, #tpu.memory_space<hbm>>) target_semaphore(%arg5 : memref<!tpu.dma_semaphore, #tpu.memory_space<semaphore_mem>>)
    %add3A_85 = arith.constant 320 : i32
    %add3A_86 = arith.addi %add3A_85, %add3A : i32
    %mul3A_87 = arith.constant 8 : i32
    %mul3A_88 = arith.muli %add3A_86, %mul3A_87 : i32
    %dma_start3A_89 = arith.constant 0 : i32
    %dma_start3A_90 = tpu.memref_slice %arg3[%mul3A_88, %dma_start3A_89] : memref<4096x12800xf32, #tpu.memory_space<hbm>> -> memref<8x12800xf32, #tpu.memory_space<hbm>>
    %dma_start3A_91 = arith.constant 0 : i32
    %dma_start3A_92 = tpu.memref_slice %arg3[%mul3A_88, %dma_start3A_91] : memref<4096x12800xf32, #tpu.memory_space<hbm>> -> memref<8x12800xf32, #tpu.memory_space<hbm>>
    tpu.enqueue_dma source(%arg4 : memref<8x12800xf32, #tpu.memory_space<vmem>>) target(%dma_start3A_92 : memref<8x12800xf32, #tpu.memory_space<hbm>>) target_semaphore(%arg5 : memref<!tpu.dma_semaphore, #tpu.memory_space<semaphore_mem>>)
    %add3A_93 = arith.constant 352 : i32
    %add3A_94 = arith.addi %add3A_93, %add3A : i32
    %mul3A_95 = arith.constant 8 : i32
    %mul3A_96 = arith.muli %add3A_94, %mul3A_95 : i32
    %dma_start3A_97 = arith.constant 0 : i32
    %dma_start3A_98 = tpu.memref_slice %arg3[%mul3A_96, %dma_start3A_97] : memref<4096x12800xf32, #tpu.memory_space<hbm>> -> memref<8x12800xf32, #tpu.memory_space<hbm>>
    %dma_start3A_99 = arith.constant 0 : i32
    %dma_start3A_100 = tpu.memref_slice %arg3[%mul3A_96, %dma_start3A_99] : memref<4096x12800xf32, #tpu.memory_space<hbm>> -> memref<8x12800xf32, #tpu.memory_space<hbm>>
    tpu.enqueue_dma source(%arg4 : memref<8x12800xf32, #tpu.memory_space<vmem>>) target(%dma_start3A_100 : memref<8x12800xf32, #tpu.memory_space<hbm>>) target_semaphore(%arg5 : memref<!tpu.dma_semaphore, #tpu.memory_space<semaphore_mem>>)
    %add3A_101 = arith.constant 384 : i32
    %add3A_102 = arith.addi %add3A_101, %add3A : i32
    %mul3A_103 = arith.constant 8 : i32
    %mul3A_104 = arith.muli %add3A_102, %mul3A_103 : i32
    %dma_start3A_105 = arith.constant 0 : i32
    %dma_start3A_106 = tpu.memref_slice %arg3[%mul3A_104, %dma_start3A_105] : memref<4096x12800xf32, #tpu.memory_space<hbm>> -> memref<8x12800xf32, #tpu.memory_space<hbm>>
    %dma_start3A_107 = arith.constant 0 : i32
    %dma_start3A_108 = tpu.memref_slice %arg3[%mul3A_104, %dma_start3A_107] : memref<4096x12800xf32, #tpu.memory_space<hbm>> -> memref<8x12800xf32, #tpu.memory_space<hbm>>
    tpu.enqueue_dma source(%arg4 : memref<8x12800xf32, #tpu.memory_space<vmem>>) target(%dma_start3A_108 : memref<8x12800xf32, #tpu.memory_space<hbm>>) target_semaphore(%arg5 : memref<!tpu.dma_semaphore, #tpu.memory_space<semaphore_mem>>)
    %add3A_109 = arith.constant 416 : i32
    %add3A_110 = arith.addi %add3A_109, %add3A : i32
    %mul3A_111 = arith.constant 8 : i32
    %mul3A_112 = arith.muli %add3A_110, %mul3A_111 : i32
    %dma_start3A_113 = arith.constant 0 : i32
    %dma_start3A_114 = tpu.memref_slice %arg3[%mul3A_112, %dma_start3A_113] : memref<4096x12800xf32, #tpu.memory_space<hbm>> -> memref<8x12800xf32, #tpu.memory_space<hbm>>
    %dma_start3A_115 = arith.constant 0 : i32
    %dma_start3A_116 = tpu.memref_slice %arg3[%mul3A_112, %dma_start3A_115] : memref<4096x12800xf32, #tpu.memory_space<hbm>> -> memref<8x12800xf32, #tpu.memory_space<hbm>>
    tpu.enqueue_dma source(%arg4 : memref<8x12800xf32, #tpu.memory_space<vmem>>) target(%dma_start3A_116 : memref<8x12800xf32, #tpu.memory_space<hbm>>) target_semaphore(%arg5 : memref<!tpu.dma_semaphore, #tpu.memory_space<semaphore_mem>>)
    %add3A_117 = arith.constant 448 : i32
    %add3A_118 = arith.addi %add3A_117, %add3A : i32
    %mul3A_119 = arith.constant 8 : i32
    %mul3A_120 = arith.muli %add3A_118, %mul3A_119 : i32
    %dma_start3A_121 = arith.constant 0 : i32
    %dma_start3A_122 = tpu.memref_slice %arg3[%mul3A_120, %dma_start3A_121] : memref<4096x12800xf32, #tpu.memory_space<hbm>> -> memref<8x12800xf32, #tpu.memory_space<hbm>>
    %dma_start3A_123 = arith.constant 0 : i32
    %dma_start3A_124 = tpu.memref_slice %arg3[%mul3A_120, %dma_start3A_123] : memref<4096x12800xf32, #tpu.memory_space<hbm>> -> memref<8x12800xf32, #tpu.memory_space<hbm>>
    tpu.enqueue_dma source(%arg4 : memref<8x12800xf32, #tpu.memory_space<vmem>>) target(%dma_start3A_124 : memref<8x12800xf32, #tpu.memory_space<hbm>>) target_semaphore(%arg5 : memref<!tpu.dma_semaphore, #tpu.memory_space<semaphore_mem>>)
    %add3A_125 = arith.constant 480 : i32
    %add3A_126 = arith.addi %add3A_125, %add3A : i32
    %mul3A_127 = arith.constant 8 : i32
    %mul3A_128 = arith.muli %add3A_126, %mul3A_127 : i32
    %dma_start3A_129 = arith.constant 0 : i32
    %dma_start3A_130 = tpu.memref_slice %arg3[%mul3A_128, %dma_start3A_129] : memref<4096x12800xf32, #tpu.memory_space<hbm>> -> memref<8x12800xf32, #tpu.memory_space<hbm>>
    %dma_start3A_131 = arith.constant 0 : i32
    %dma_start3A_132 = tpu.memref_slice %arg3[%mul3A_128, %dma_start3A_131] : memref<4096x12800xf32, #tpu.memory_space<hbm>> -> memref<8x12800xf32, #tpu.memory_space<hbm>>
    tpu.enqueue_dma source(%arg4 : memref<8x12800xf32, #tpu.memory_space<vmem>>) target(%dma_start3A_132 : memref<8x12800xf32, #tpu.memory_space<hbm>>) target_semaphore(%arg5 : memref<!tpu.dma_semaphore, #tpu.memory_space<semaphore_mem>>)
    %dma_wait3A = arith.constant 0 : i32
    %dma_wait3A_133 = tpu.memref_slice %arg3[%mul3A_9, %dma_wait3A] : memref<4096x12800xf32, #tpu.memory_space<hbm>> -> memref<8x12800xf32, #tpu.memory_space<hbm>>
    %dma_wait3A_134 = arith.constant 0 : i32
    %dma_wait3A_135 = tpu.memref_slice %arg3[%mul3A_9, %dma_wait3A_134] : memref<4096x12800xf32, #tpu.memory_space<hbm>> -> memref<8x12800xf32, #tpu.memory_space<hbm>>
    tpu.wait_dma2 semaphore(%arg5 : memref<!tpu.dma_semaphore, #tpu.memory_space<semaphore_mem>>) src(%arg4 : memref<8x12800xf32, #tpu.memory_space<vmem>>) dst(%dma_wait3A_135 : memref<8x12800xf32, #tpu.memory_space<hbm>>)
    %dma_wait3A_136 = arith.constant 0 : i32
    %dma_wait3A_137 = tpu.memref_slice %arg3[%mul3A_16, %dma_wait3A_136] : memref<4096x12800xf32, #tpu.memory_space<hbm>> -> memref<8x12800xf32, #tpu.memory_space<hbm>>
    %dma_wait3A_138 = arith.constant 0 : i32
    %dma_wait3A_139 = tpu.memref_slice %arg3[%mul3A_16, %dma_wait3A_138] : memref<4096x12800xf32, #tpu.memory_space<hbm>> -> memref<8x12800xf32, #tpu.memory_space<hbm>>
    tpu.wait_dma2 semaphore(%arg5 : memref<!tpu.dma_semaphore, #tpu.memory_space<semaphore_mem>>) src(%arg4 : memref<8x12800xf32, #tpu.memory_space<vmem>>) dst(%dma_wait3A_139 : memref<8x12800xf32, #tpu.memory_space<hbm>>)
    %dma_wait3A_140 = arith.constant 0 : i32
    %dma_wait3A_141 = tpu.memref_slice %arg3[%mul3A_24, %dma_wait3A_140] : memref<4096x12800xf32, #tpu.memory_space<hbm>> -> memref<8x12800xf32, #tpu.memory_space<hbm>>
    %dma_wait3A_142 = arith.constant 0 : i32
    %dma_wait3A_143 = tpu.memref_slice %arg3[%mul3A_24, %dma_wait3A_142] : memref<4096x12800xf32, #tpu.memory_space<hbm>> -> memref<8x12800xf32, #tpu.memory_space<hbm>>
    tpu.wait_dma2 semaphore(%arg5 : memref<!tpu.dma_semaphore, #tpu.memory_space<semaphore_mem>>) src(%arg4 : memref<8x12800xf32, #tpu.memory_space<vmem>>) dst(%dma_wait3A_143 : memref<8x12800xf32, #tpu.memory_space<hbm>>)
    %dma_wait3A_144 = arith.constant 0 : i32
    %dma_wait3A_145 = tpu.memref_slice %arg3[%mul3A_32, %dma_wait3A_144] : memref<4096x12800xf32, #tpu.memory_space<hbm>> -> memref<8x12800xf32, #tpu.memory_space<hbm>>
    %dma_wait3A_146 = arith.constant 0 : i32
    %dma_wait3A_147 = tpu.memref_slice %arg3[%mul3A_32, %dma_wait3A_146] : memref<4096x12800xf32, #tpu.memory_space<hbm>> -> memref<8x12800xf32, #tpu.memory_space<hbm>>
    tpu.wait_dma2 semaphore(%arg5 : memref<!tpu.dma_semaphore, #tpu.memory_space<semaphore_mem>>) src(%arg4 : memref<8x12800xf32, #tpu.memory_space<vmem>>) dst(%dma_wait3A_147 : memref<8x12800xf32, #tpu.memory_space<hbm>>)
    %dma_wait3A_148 = arith.constant 0 : i32
    %dma_wait3A_149 = tpu.memref_slice %arg3[%mul3A_40, %dma_wait3A_148] : memref<4096x12800xf32, #tpu.memory_space<hbm>> -> memref<8x12800xf32, #tpu.memory_space<hbm>>
    %dma_wait3A_150 = arith.constant 0 : i32
    %dma_wait3A_151 = tpu.memref_slice %arg3[%mul3A_40, %dma_wait3A_150] : memref<4096x12800xf32, #tpu.memory_space<hbm>> -> memref<8x12800xf32, #tpu.memory_space<hbm>>
    tpu.wait_dma2 semaphore(%arg5 : memref<!tpu.dma_semaphore, #tpu.memory_space<semaphore_mem>>) src(%arg4 : memref<8x12800xf32, #tpu.memory_space<vmem>>) dst(%dma_wait3A_151 : memref<8x12800xf32, #tpu.memory_space<hbm>>)
    %dma_wait3A_152 = arith.constant 0 : i32
    %dma_wait3A_153 = tpu.memref_slice %arg3[%mul3A_48, %dma_wait3A_152] : memref<4096x12800xf32, #tpu.memory_space<hbm>> -> memref<8x12800xf32, #tpu.memory_space<hbm>>
    %dma_wait3A_154 = arith.constant 0 : i32
    %dma_wait3A_155 = tpu.memref_slice %arg3[%mul3A_48, %dma_wait3A_154] : memref<4096x12800xf32, #tpu.memory_space<hbm>> -> memref<8x12800xf32, #tpu.memory_space<hbm>>
    tpu.wait_dma2 semaphore(%arg5 : memref<!tpu.dma_semaphore, #tpu.memory_space<semaphore_mem>>) src(%arg4 : memref<8x12800xf32, #tpu.memory_space<vmem>>) dst(%dma_wait3A_155 : memref<8x12800xf32, #tpu.memory_space<hbm>>)
    %dma_wait3A_156 = arith.constant 0 : i32
    %dma_wait3A_157 = tpu.memref_slice %arg3[%mul3A_56, %dma_wait3A_156] : memref<4096x12800xf32, #tpu.memory_space<hbm>> -> memref<8x12800xf32, #tpu.memory_space<hbm>>
    %dma_wait3A_158 = arith.constant 0 : i32
    %dma_wait3A_159 = tpu.memref_slice %arg3[%mul3A_56, %dma_wait3A_158] : memref<4096x12800xf32, #tpu.memory_space<hbm>> -> memref<8x12800xf32, #tpu.memory_space<hbm>>
    tpu.wait_dma2 semaphore(%arg5 : memref<!tpu.dma_semaphore, #tpu.memory_space<semaphore_mem>>) src(%arg4 : memref<8x12800xf32, #tpu.memory_space<vmem>>) dst(%dma_wait3A_159 : memref<8x12800xf32, #tpu.memory_space<hbm>>)
    %dma_wait3A_160 = arith.constant 0 : i32
    %dma_wait3A_161 = tpu.memref_slice %arg3[%mul3A_64, %dma_wait3A_160] : memref<4096x12800xf32, #tpu.memory_space<hbm>> -> memref<8x12800xf32, #tpu.memory_space<hbm>>
    %dma_wait3A_162 = arith.constant 0 : i32
    %dma_wait3A_163 = tpu.memref_slice %arg3[%mul3A_64, %dma_wait3A_162] : memref<4096x12800xf32, #tpu.memory_space<hbm>> -> memref<8x12800xf32, #tpu.memory_space<hbm>>
    tpu.wait_dma2 semaphore(%arg5 : memref<!tpu.dma_semaphore, #tpu.memory_space<semaphore_mem>>) src(%arg4 : memref<8x12800xf32, #tpu.memory_space<vmem>>) dst(%dma_wait3A_163 : memref<8x12800xf32, #tpu.memory_space<hbm>>)
    %dma_wait3A_164 = arith.constant 0 : i32
    %dma_wait3A_165 = tpu.memref_slice %arg3[%mul3A_72, %dma_wait3A_164] : memref<4096x12800xf32, #tpu.memory_space<hbm>> -> memref<8x12800xf32, #tpu.memory_space<hbm>>
    %dma_wait3A_166 = arith.constant 0 : i32
    %dma_wait3A_167 = tpu.memref_slice %arg3[%mul3A_72, %dma_wait3A_166] : memref<4096x12800xf32, #tpu.memory_space<hbm>> -> memref<8x12800xf32, #tpu.memory_space<hbm>>
    tpu.wait_dma2 semaphore(%arg5 : memref<!tpu.dma_semaphore, #tpu.memory_space<semaphore_mem>>) src(%arg4 : memref<8x12800xf32, #tpu.memory_space<vmem>>) dst(%dma_wait3A_167 : memref<8x12800xf32, #tpu.memory_space<hbm>>)
    %dma_wait3A_168 = arith.constant 0 : i32
    %dma_wait3A_169 = tpu.memref_slice %arg3[%mul3A_80, %dma_wait3A_168] : memref<4096x12800xf32, #tpu.memory_space<hbm>> -> memref<8x12800xf32, #tpu.memory_space<hbm>>
    %dma_wait3A_170 = arith.constant 0 : i32
    %dma_wait3A_171 = tpu.memref_slice %arg3[%mul3A_80, %dma_wait3A_170] : memref<4096x12800xf32, #tpu.memory_space<hbm>> -> memref<8x12800xf32, #tpu.memory_space<hbm>>
    tpu.wait_dma2 semaphore(%arg5 : memref<!tpu.dma_semaphore, #tpu.memory_space<semaphore_mem>>) src(%arg4 : memref<8x12800xf32, #tpu.memory_space<vmem>>) dst(%dma_wait3A_171 : memref<8x12800xf32, #tpu.memory_space<hbm>>)
    %dma_wait3A_172 = arith.constant 0 : i32
    %dma_wait3A_173 = tpu.memref_slice %arg3[%mul3A_88, %dma_wait3A_172] : memref<4096x12800xf32, #tpu.memory_space<hbm>> -> memref<8x12800xf32, #tpu.memory_space<hbm>>
    %dma_wait3A_174 = arith.constant 0 : i32
    %dma_wait3A_175 = tpu.memref_slice %arg3[%mul3A_88, %dma_wait3A_174] : memref<4096x12800xf32, #tpu.memory_space<hbm>> -> memref<8x12800xf32, #tpu.memory_space<hbm>>
    tpu.wait_dma2 semaphore(%arg5 : memref<!tpu.dma_semaphore, #tpu.memory_space<semaphore_mem>>) src(%arg4 : memref<8x12800xf32, #tpu.memory_space<vmem>>) dst(%dma_wait3A_175 : memref<8x12800xf32, #tpu.memory_space<hbm>>)
    %dma_wait3A_176 = arith.constant 0 : i32
    %dma_wait3A_177 = tpu.memref_slice %arg3[%mul3A_96, %dma_wait3A_176] : memref<4096x12800xf32, #tpu.memory_space<hbm>> -> memref<8x12800xf32, #tpu.memory_space<hbm>>
    %dma_wait3A_178 = arith.constant 0 : i32
    %dma_wait3A_179 = tpu.memref_slice %arg3[%mul3A_96, %dma_wait3A_178] : memref<4096x12800xf32, #tpu.memory_space<hbm>> -> memref<8x12800xf32, #tpu.memory_space<hbm>>
    tpu.wait_dma2 semaphore(%arg5 : memref<!tpu.dma_semaphore, #tpu.memory_space<semaphore_mem>>) src(%arg4 : memref<8x12800xf32, #tpu.memory_space<vmem>>) dst(%dma_wait3A_179 : memref<8x12800xf32, #tpu.memory_space<hbm>>)
    %dma_wait3A_180 = arith.constant 0 : i32
    %dma_wait3A_181 = tpu.memref_slice %arg3[%mul3A_104, %dma_wait3A_180] : memref<4096x12800xf32, #tpu.memory_space<hbm>> -> memref<8x12800xf32, #tpu.memory_space<hbm>>
    %dma_wait3A_182 = arith.constant 0 : i32
    %dma_wait3A_183 = tpu.memref_slice %arg3[%mul3A_104, %dma_wait3A_182] : memref<4096x12800xf32, #tpu.memory_space<hbm>> -> memref<8x12800xf32, #tpu.memory_space<hbm>>
    tpu.wait_dma2 semaphore(%arg5 : memref<!tpu.dma_semaphore, #tpu.memory_space<semaphore_mem>>) src(%arg4 : memref<8x12800xf32, #tpu.memory_space<vmem>>) dst(%dma_wait3A_183 : memref<8x12800xf32, #tpu.memory_space<hbm>>)
    %dma_wait3A_184 = arith.constant 0 : i32
    %dma_wait3A_185 = tpu.memref_slice %arg3[%mul3A_112, %dma_wait3A_184] : memref<4096x12800xf32, #tpu.memory_space<hbm>> -> memref<8x12800xf32, #tpu.memory_space<hbm>>
    %dma_wait3A_186 = arith.constant 0 : i32
    %dma_wait3A_187 = tpu.memref_slice %arg3[%mul3A_112, %dma_wait3A_186] : memref<4096x12800xf32, #tpu.memory_space<hbm>> -> memref<8x12800xf32, #tpu.memory_space<hbm>>
    tpu.wait_dma2 semaphore(%arg5 : memref<!tpu.dma_semaphore, #tpu.memory_space<semaphore_mem>>) src(%arg4 : memref<8x12800xf32, #tpu.memory_space<vmem>>) dst(%dma_wait3A_187 : memref<8x12800xf32, #tpu.memory_space<hbm>>)
    %dma_wait3A_188 = arith.constant 0 : i32
    %dma_wait3A_189 = tpu.memref_slice %arg3[%mul3A_120, %dma_wait3A_188] : memref<4096x12800xf32, #tpu.memory_space<hbm>> -> memref<8x12800xf32, #tpu.memory_space<hbm>>
    %dma_wait3A_190 = arith.constant 0 : i32
    %dma_wait3A_191 = tpu.memref_slice %arg3[%mul3A_120, %dma_wait3A_190] : memref<4096x12800xf32, #tpu.memory_space<hbm>> -> memref<8x12800xf32, #tpu.memory_space<hbm>>
    tpu.wait_dma2 semaphore(%arg5 : memref<!tpu.dma_semaphore, #tpu.memory_space<semaphore_mem>>) src(%arg4 : memref<8x12800xf32, #tpu.memory_space<vmem>>) dst(%dma_wait3A_191 : memref<8x12800xf32, #tpu.memory_space<hbm>>)
    %dma_wait3A_192 = arith.constant 0 : i32
    %dma_wait3A_193 = tpu.memref_slice %arg3[%mul3A_128, %dma_wait3A_192] : memref<4096x12800xf32, #tpu.memory_space<hbm>> -> memref<8x12800xf32, #tpu.memory_space<hbm>>
    %dma_wait3A_194 = arith.constant 0 : i32
    %dma_wait3A_195 = tpu.memref_slice %arg3[%mul3A_128, %dma_wait3A_194] : memref<4096x12800xf32, #tpu.memory_space<hbm>> -> memref<8x12800xf32, #tpu.memory_space<hbm>>
    tpu.wait_dma2 semaphore(%arg5 : memref<!tpu.dma_semaphore, #tpu.memory_space<semaphore_mem>>) src(%arg4 : memref<8x12800xf32, #tpu.memory_space<vmem>>) dst(%dma_wait3A_195 : memref<8x12800xf32, #tpu.memory_space<hbm>>)
    return
  }
}

</mosaic_0001>

<sc_bundles>
// kernel: kernel.3.cloned.1.call-start
scs
__scs_entry_jumppad:
0x0: {  	(pc) =	sbr.rel $0x88, $3  }
0x1: {  	(tag) =	ssettag $0x0;
	lr =	simm.s32 $0x1  }
0x2: {  	[smem:$0x3FA0] =	sst lr;
	_ =	strace $0xD0000000  }
0x3: {  	_ = 	snop  }
0x4: {  	_ = 	snop  }
0x5: {  	_ = 	snop  }
0x6: {  	_ = 	snop  }
0x7: {  	_ = 	snop  }
__scs_overlays_trampoline_lowered:
0x8: {  	[smem:$0x3FAF] =	sst s0  }
0x9: {  	[smem:$0x3FB0] =	sst s1  }
0xa: {  	[smem:$0x3FB1] =	sst s2  }
0xb: {  	[smem:$0x3FB2] =	sst s3  }
0xc: {  	[smem:$0x3FB3] =	sst s4  }
0xd: {  	[smem:$0x3FB4] =	sst s5  }
0xe: {  	[smem:$0x3FB5] =	sst s6  }
0xf: {  	[smem:$0x3FB6] =	sst s7  }
0x10: {  	[smem:$0x3FB7] =	sst s8  }
0x11: {  	[smem:$0x3FB8] =	sst s9;
	s0 =	simm.s32 @!p0 $0x0  }
0x12: {  	s1 =	sld [smem:$0x3F9E];
	s0 =	simm.s32 @p0 $0x1  }
0x13: {  	[smem:$0x3FB9] =	sst s0;
	s0 =	simm.s32 @!p1 $0x0  }
0x14: {  	s2 =	sld [smem:$0x3F9D];
	s0 =	simm.s32 @p1 $0x1  }
0x15: {  	[smem:$0x3FBA] =	sst s0;
	s0 =	simm.s32 @!p2 $0x0  }
0x16: {  	s3 =	sld [smem:$0x3FDB];
	s0 =	simm.s32 @p2 $0x1  }
0x17: {  	s4 =	simm.s32 $0x1BF5;
	[smem:$0x3FBC] =	sst s0  }
0x18: {  	s0 =	sld [smem:$0x3F9F];
	_ =	swait.ge [sflag:s4], $0x0  }
0x19: {  	s7 =	sld [smem:$0x3FA0]  }
0x1a: {  	s8 =	sadd.s32 $0xFFFFE003, lr  }
0x1b: {  	s9 =	sadd.s32 $0xFFFFFEF7, lr;
	s5 =	simm.s32 $0xFFFFFFFF;
	p2 =	slt.u32 s8, $0xFFFFF086  }
0x1c: {  	p1 =	slt.u32 s9, $0xF7A;
	s5 =	simm.s32 @!p2 $0x0  }
0x1d: {  	s5 =	simm.s32 @p1 $0x1;
	p0 =	seq.s32 s7, s2  }
0x1e: {  	s7 =	smul.u32 @!p0 $0xF7A, s2;
	p2 =	seq.s32 @!p0 s5, $0x0  }
0x1f: {  	s9 =	smul.u32 $0xF7A, s1;
	s8 =	simm.s32 @!p0 $0x1BF5;
	p2 =	por !p2, p0  }
0x20: {  	[sflag:s8] =	ssyncset.s32 @!p0 $0xFFFFF086;
	s6 =	sadd.s32 @!p0 s3, s7;
	s7 =	simm.s32 @!p0 $0x108  }
0x21: {  	s3 =	sadd.s32 s3, s9;
	s6 =	sadd.s32 @!p0 $0x88, s6;
	s7 =	simm.s32 @p2 $0x1082  }
0x22: {  	[simem:s7], [sflag:s8] =	dma.local @!p0 [hbm:s6], $0xF7A  }
0x23: {  	s9 =	sor.u32 $0xD0000000, s2;
	s6 =	simm.s32 $0x108;
	_ =	swait.ge @!p0 [sflag:s8], $0x0  }
0x24: {  	s3 =	sadd.s32 $0x88, s3;
	s6 =	simm.s32 @!p1 $0x1082;
	[sflag:s4] =	ssyncset.s32 $0xFFFFF086  }
0x25: {  	[simem:s6], [sflag:s4] =	dma.local [hbm:s3], $0xF7A  }
0x26: {  	[smem:$0x3FA0] =	sst s1;
	(tag) =	ssettag s2;
	_ =	strace s9  }
0x27: {  	s1 =	sld [smem:$0x3FB0]  }
0x28: {  	s2 =	sld [smem:$0x3FB1]  }
0x29: {  	s4 =	sld [smem:$0x3FB3]  }
0x2a: {  	p0 =	seq.s32 s5, $0x0;
	s5 =	sld [smem:$0x3FB4]  }
0x2b: {  	s6 =	sld [smem:$0x3FB5]  }
0x2c: {  	s7 =	sld [smem:$0x3FB6]  }
0x2d: {  	s3 =	simm.s32 $0x108;
	s8 =	sld [smem:$0x3FB7]  }
0x2e: {  	s3 =	simm.s32 @!p0 $0x1082;
	s9 =	sld [smem:$0x3FB8]  }
0x2f: {  	lr =	sadd.s32 s0, s3;
	s0 =	sld [smem:$0x3FAF]  }
0x30: {  	s3 =	sld [smem:$0x3FB2]  }
0x31: {  	[smem:$0x3FBB] =	sst s10  }
0x32: {  	s10 =	sld [smem:$0x3FB9];
	_ =	sdelay $0x3  }
0x33: {  	p0 =	seq.s32 s10, $0x1;
	s10 =	sld [smem:$0x3FBB];
	_ =	sdelay $0x3  }
0x34: {  	[smem:$0x3FBB] =	sst s10  }
0x35: {  	s10 =	sld [smem:$0x3FBA];
	_ =	sdelay $0x3  }
0x36: {  	p1 =	seq.s32 s10, $0x1;
	s10 =	sld [smem:$0x3FBB];
	_ =	sdelay $0x3  }
0x37: {  	[smem:$0x3FBB] =	sst s10  }
0x38: {  	s10 =	sld [smem:$0x3FBC]  }
0x39: {  	_ = 	snop;
	(pc) =	sbr.ind lr, $3  }
0x3a: {  	_ = 	snop  }
0x3b: {  	_ = 	snop  }
0x3c: {  	p2 =	seq.s32 s10, $0x1;
	s10 =	sld [smem:$0x3FBB]  }
0x3d: {  	_ =	shalt  }
0x3e: {  	_ =	shalt  }
0x3f: {  	_ =	shalt  }
0x40: {  	_ =	shalt  }
0x41: {  	_ =	shalt  }
0x42: {  	_ =	shalt  }
0x43: {  	_ =	shalt  }
0x44: {  	_ =	shalt  }
0x45: {  	_ =	shalt  }
0x46: {  	_ =	shalt  }
0x47: {  	_ =	shalt  }
0x48: {  	_ =	shalt  }
0x49: {  	_ =	shalt  }
0x4a: {  	_ =	shalt  }
0x4b: {  	_ =	shalt  }
0x4c: {  	_ =	shalt  }
0x4d: {  	_ =	shalt  }
0x4e: {  	_ =	shalt  }
0x4f: {  	_ =	shalt  }
0x50: {  	_ =	shalt  }
0x51: {  	_ =	shalt  }
0x52: {  	_ =	shalt  }
0x53: {  	_ =	shalt  }
0x54: {  	_ =	shalt  }
0x55: {  	_ =	shalt  }
0x56: {  	_ =	shalt  }
0x57: {  	_ =	shalt  }
0x58: {  	_ =	shalt  }
0x59: {  	_ =	shalt  }
0x5a: {  	_ =	shalt  }
0x5b: {  	_ =	shalt  }
0x5c: {  	_ =	shalt  }
0x5d: {  	_ =	shalt  }
0x5e: {  	_ =	shalt  }
0x5f: {  	_ =	shalt  }
0x60: {  	_ =	shalt  }
0x61: {  	_ =	shalt  }
0x62: {  	_ =	shalt  }
0x63: {  	_ =	shalt  }
0x64: {  	_ =	shalt  }
0x65: {  	_ =	shalt  }
0x66: {  	_ =	shalt  }
0x67: {  	_ =	shalt  }
0x68: {  	_ =	shalt  }
0x69: {  	_ =	shalt  }
0x6a: {  	_ =	shalt  }
0x6b: {  	_ =	shalt  }
0x6c: {  	_ =	shalt  }
0x6d: {  	_ =	shalt  }
0x6e: {  	_ =	shalt  }
0x6f: {  	_ =	shalt  }
0x70: {  	_ =	shalt  }
0x71: {  	_ =	shalt  }
0x72: {  	_ =	shalt  }
0x73: {  	_ =	shalt  }
0x74: {  	_ =	shalt  }
0x75: {  	_ =	shalt  }
0x76: {  	_ =	shalt  }
0x77: {  	_ =	shalt  }
0x78: {  	_ =	shalt  }
0x79: {  	_ =	shalt  }
0x7a: {  	_ =	shalt  }
0x7b: {  	_ =	shalt  }
0x7c: {  	_ =	shalt  }
0x7d: {  	_ =	shalt  }
0x7e: {  	_ =	shalt  }
0x7f: {  	_ =	shalt  }
0x80: {  	_ =	shalt  }
0x81: {  	_ =	shalt  }
0x82: {  	_ =	shalt  }
0x83: {  	_ =	shalt  }
0x84: {  	_ =	shalt  }
0x85: {  	_ =	shalt  }
0x86: {  	_ =	shalt  }
0x87: {  	_ =	shalt  }
.Lfunc_end0:
.L_simem_size_0:
called_computation_lowered:
.L_overlay_start_0:
0x88: {  	s2 =	sld [smem:$0x3FD9]  }
0x89: {  	s3 =	sld [smem:$0x3FFE];
	_ =	sdelay $0x1  }
0x8a: {  	s1 =	srdreg.scid  }
0x8b: {  	s0 =	sand.u32 $0x1, s1  }
0x8c: {  	s17 =	sshll.u32 s0, $0xA;
	s2 =	sadd.s32 s3, s2  }
0x8d: {  	s2 =	sadd.s32 s2, s17  }
0x8e: {  	[smem:$0x3FC7] =	sst s2  }
0x8f: {  	_ = 	snop  }
0x90: {  	s2 =	sld [smem:$0x3FD0];
	(tm) =	ssettm $0x1  }
0x91: {  	s18 =	sld [smem:$0x3FFB];
	_ =	sdelay $0x3  }
0x92: {  	_ =	strace s18  }
0x93: {  	s3 =	sld [smem:$0x3FFC];
	_ =	sdelay $0x3  }
0x94: {  	_ =	strace s3  }
0x95: {  	s3 =	sld [smem:$0x3FFD];
	_ =	sdelay $0x3  }
0x96: {  	_ =	strace s3  }
0x97: {  	_ =	strace $0x8FFFFFFF  }
0x98: {  	s19 =	sld [smem:$0x3FDB];
	_ =	sdelay $0x1  }
0x99: {  	s4 =	simm.s32 $_scs_section_size  }
0x9a: {  	s5 =	simm.s32 $_size__tile_overlayer_lowered;
	s6 =	simm.s32 $_tile_overlayer_lowered  }
0x9b: {  	s22 =	simm.s32 $0x1BFF;
	s21 =	sshll.u32 s6, $0x1;
	s3 =	sadd.s32 s4, s19  }
0x9c: {  	s7 =	simm.s32 $0x0;
	s20 =	sshll.u32 s5, $0x1;
	s5 =	sadd.s32 s21, s3  }
0x9d: {  	[timem:s7], [sflag:s22] =	dma.local [hbm:s5], s20  }
0x9e: {  	_ =	swait.ge [sflag:s22], s20  }
0x9f: {  	s4 =	ssub.s32 $0x0, s20;
	[sflag:s22] =	ssyncset.done $0x0  }
0xa0: {  	[sflag:s22] =	ssyncadd.s32 s4;
	_ =	sdelay $0x1  }
0xa1: {  	s23 =	simm.s32 $0x1B8B  }
0xa2: {  	_ =	swait.ge [sflag:s23], $0x1  }
0xa3: {  	[sflag:s23] =	ssyncset.done $0x0  }
0xa4: {  	s25 =	simm.s32 $0x1B8E;
	s24 =	sld [smem:$0x3FFE];
	[sflag:s23] =	ssyncadd.s32 $0xFFFFFFFF  }
0xa5: {  	s26 =	simm.s32 $execute0_lowered;
	[smem:$0x3FD2] =	sst s25  }
0xa6: {  	s5 =	sshll.u32 s26, $0x1;
	_ =	strace $0x80000046;
	[dreg:$0x1] =	wrdreg $0xFFFFFFFF  }
0xa7: {  	s28 =	simm.s32 $_size_execute0_lowered;
	s3 =	sadd.s32 s3, s5;
	[dreg:$0x0] =	wrdreg $0x0  }
0xa8: {  	s5 =	sshll.u32 s28, $0x1;
	[dreg:$0x2] =	wrdreg s3  }
0xa9: {  	[dreg:$0x3] =	wrdreg s5  }
0xaa: {  	[dreg:$0x4] =	wrdreg $0xC0  }
0xab: {  	_ =	task [dreg:s7], $0x5FFFF  }
0xac: {  	[dreg:$0x1] =	wrdreg $0xFFFFFFFF  }
0xad: {  	[dreg:$0x0] =	wrdreg $0x60  }
0xae: {  	[dreg:$0x2] =	wrdreg s2  }
0xaf: {  	[dreg:$0x3] =	wrdreg s24  }
0xb0: {  	[dreg:$0x4] =	wrdreg $0x9  }
0xb1: {  	_ =	task.clear_ibuf [dreg:s7], $0x5FFFF;
	_ =	strace $0x90000046  }
0xb2: {  	s29 =	simm.s32 $0x9;
	_ =	strace $0x80000048  }
0xb3: {  	_ =	swait.ge [sflag:s29], $0x1  }
0xb4: {  	[sflag:s29] =	ssyncadd.s32 $0xFFFFFFFF  }
0xb5: {  	_ =	strace $0x90000048  }
0xb6: {  	_ =	sfence  }
0xb7: {  	s30 =	sld [smem:$0x0];
	_ =	sdelay $0x2  }
0xb8: {  	s31 =	sshll.u32 s1, $0xD;
	s1 =	sshrl.u32 s1, $0x2  }
0xb9: {  	s3 =	sand.u32 $0x4000, s31;
	s1 =	sadd.s32 s1, s30  }
0xba: {  	s0 =	sor.u32 s3, s0;
	s1 =	sshll.u32 s1, $0x11  }
0xbb: {  	s0 =	sor.u32 s1, s0  }
0xbc: {  	s0 =	sadd.s32 $0x8F2B, s0  }
0xbd: {  	[sflag:s0] =	ssyncadd.remote.s32 $0x1  }
0xbe: {  	_ =	sfence.sel $0xFFFF  }
0xbf: {  	[dreg:$0x0] =	wrdreg $0xFFFFFFFF;
	(pc) =	sbr.abs _section_cstart, $3  }
0xc0: {  	[dreg:$0x1] =	wrdreg $0xFFFFFFFF  }
0xc1: {  	_ =	task.clear_ibuf [dreg:s7], $0x2FFFF;
	_ =	strace $0x9FFFFFFF  }
0xc2: {  	(tm) =	ssettm $0x7FFFFFFF  }
0xc3: {  	_ =	shalt  }
tec
execute0_lowered:
.L_overlay_start_1:
0x0: {  	(tag) =	ssettag $0x1  }
0x1: {  	s1 =	srdreg.scid;
	s0 =	stileid.u32  }
0x2: {  	s9 =	sand.u32 $0x1, s1;
	s31 =	sshll.u32 s0, $0x1  }
0x3: {  	s2 =	rddreg [dreg:$0x0];
	s5 =	sor.u32 s9, s31  }
0x4: {  	s4 =	rddreg [dreg:$0x1];
	s3 =	simm.s32 $0x0;
	s5 =	smul.u32 $0x3200, s5  }
0x5: {  	s21 =	simm.s32 $0x2;
	s22 =	simm.s32 $0x1;
	[smem:$0x7FF] =	sst s3  }
0x6: {  	s1 =	rddreg [dreg:$0x2];
	_ =	strace $0x80000047;
	s19 =	sadd.s32 s5, s4  }
0x7: {  	s4 =	sadd.s32 $0x64400, s19;
	s5 =	sadd.s32 $0xC8400, s19;
	s6 =	sadd.s32 $0x12C400, s19  }
0x8: {  	s23 =	simm.s32 $0x0;
	s7 =	sadd.s32 $0x190400, s19;
	s8 =	sadd.s32 $0x1F4400, s19  }
0x9: {  	s13 =	ssub.s32 $0x2, s9;
	s9 =	sadd.s32 $0x258400, s19;
	s10 =	sadd.s32 $0x2BC400, s19  }
0xa: {  	s14 =	sshrl.u32 s13, $0x1;
	s11 =	sadd.s32 $0x320400, s19;
	s12 =	sadd.s32 $0x384400, s19  }
0xb: {  	s20 =	ssub.s32 s13, s14;
	s13 =	sadd.s32 $0x3E8400, s19;
	s14 =	sadd.s32 $0x44C400, s19  }
0xc: {  	s15 =	sadd.s32 $0x400, s19;
	s16 =	sadd.s32 $0x4B0400, s19;
	s17 =	sadd.s32 $0x514400, s19  }
0xd: {  	s20 =	smax.u32 s20, $0x1;
	s18 =	sadd.s32 $0x578400, s19;
	s19 =	sadd.s32 $0x5DC400, s19  }
.LBB2_1:
0xe: {  	s24 =	simm.s32 $0x10  }
0xf: {  	s28 =	sadd.s32 $0x0, s2;
	s25 =	simm.s32 $0x400;
	s26 =	simm.s32 $0x0  }
.LBB2_2:
0x10: {  	[tilespmem:s26], [sflag:$0x2] =	stream.linear.gather [hbm4b:s28+s3], $0x80, $0x38;
	[tilespmem:$0x19000] =	vst v63  }
0x11: {  	s28 =	smov.u32 s24;
	s26 =	smov.u32 s25;
	p0 =	sne.s32 s24, $0x630  }
.Ltmp0:
0x12: {  	s24 =	sadd.s32 $0x10, s24;
	(pc) =	sbr.rel @p0 .LBB2_2-.Ltmp0, $2  }
0x13: {  	_ =	sdelay $0x2  }
0x14: {  	s25 =	sadd.s32 $0x400, s25;
	s28 =	sadd.s32 s28, s2  }
0x15: {  	[tilespmem:s26], [sflag:$0x2] =	stream.linear.gather [hbm4b:s28+s3], $0x80, $0x38;
	[tilespmem:$0x19000] =	vst v63  }
0x16: {  	s24 =	simm.s32 $0x0;
	_ =	swait.ge [sflag:s21], $0x3200  }
0x17: {  	s25 =	sand.u32 $0x70, s24;
	s30 =	sand.u32 $0x1FC00, s24;
	[sflag:s21] =	ssyncset.done $0x0  }
0x18: {  	s26 =	sor.u32 s25, s30;
	[sflag:s21] =	ssyncadd.s32 $0xFFFFCE00  }
0x19: {  	v0 =	vld [tilespmem:s26+$0x0];
	_ =	sdelay $0x4  }
0x1a: {  	[tilespmem:s26+$0x80] =	vst v0  }
0x1b: {  	[tilespmem:s26+$0x100] =	vst v0  }
0x1c: {  	s31 =	sand.u32 $0x7, s24;
	[tilespmem:s26+$0x180] =	vst v0  }
0x1d: {  	s25 =	sshll.u32 s31, $0x4;
	[tilespmem:s26+$0x200] =	vst v0  }
0x1e: {  	s28 =	simm.s32 $0x10;
	s29 =	sadd.s32 $0x0, s25;
	s25 =	simm.s32 $0x80;
	[tilespmem:s26+$0x280] =	vst v0  }
0x1f: {  	s28 =	sand.u32 $0x70, s28;
	s30 =	sand.u32 $0x1FC00, s25;
	s29 =	sor.u32 $0x380, s29;
	[tilespmem:s26+$0x300] =	vst v0  }
0x20: {  	s26 =	sor.u32 s28, s30;
	[tilespmem:s29+$0x0] =	vst v0  }
0x21: {  	v0 =	vld [tilespmem:s26+$0x0];
	_ =	sdelay $0x3  }
0x22: {  	s28 =	simm.s32 $0x20  }
.LBB2_4:
0x23: {  	p0 =	sne.s32 s28, $0x31F0;
	[tilespmem:s26+$0x80] =	vst v0  }
0x24: {  	s24 =	sadd.s32 $0x1, s24;
	[tilespmem:s26+$0x100] =	vst v0  }
0x25: {  	s29 =	sand.u32 $0x7, s24;
	[tilespmem:s26+$0x180] =	vst v0  }
0x26: {  	s29 =	sshll.u32 s29, $0x4;
	[tilespmem:s26+$0x200] =	vst v0  }
0x27: {  	s29 =	sadd.s32 s29, s25;
	s25 =	sadd.s32 $0x80, s25;
	[tilespmem:s26+$0x280] =	vst v0  }
0x28: {  	s30 =	sand.u32 $0x70, s28;
	s31 =	sand.u32 $0x1FC00, s25;
	s29 =	sor.u32 $0x380, s29;
	[tilespmem:s26+$0x300] =	vst v0  }
0x29: {  	s26 =	sor.u32 s30, s31;
	[tilespmem:s29+$0x0] =	vst v0  }
.Ltmp1:
0x2a: {  	v0 =	vld [tilespmem:s26+$0x0];
	(pc) =	sbr.rel @p0 .LBB2_4-.Ltmp1, $2  }
0x2b: {  	_ =	sdelay $0x2  }
0x2c: {  	s28 =	sadd.s32 $0x10, s28  }
0x2d: {  	[tilespmem:s26+$0x80] =	vst v0  }
0x2e: {  	[tilespmem:s26+$0x100] =	vst v0;
	s24 =	sadd.s32 $0x1, s24  }
0x2f: {  	[tilespmem:s26+$0x180] =	vst v0;
	s24 =	sand.u32 $0x7, s24  }
0x30: {  	[tilespmem:s26+$0x200] =	vst v0;
	s24 =	sshll.u32 s24, $0x4  }
0x31: {  	[tilespmem:s26+$0x280] =	vst v0;
	s24 =	sadd.s32 s24, s25  }
0x32: {  	[tilespmem:s26+$0x300] =	vst v0;
	s24 =	sor.u32 $0x380, s24  }
0x33: {  	[tilespmem:s24+$0x0] =	vst v0  }
0x34: {  	[hbm4b:s15+s3] =	stream.linear.scatter [tilespmem:s3], [sflag:$0x1], $0x19000, $0x38;
	[tilespmem:$0x19000] =	vst v63  }
0x35: {  	_ = 	snop  }
0x36: {  	[hbm4b:s4+s3] =	stream.linear.scatter [tilespmem:s3], [sflag:$0x1], $0x19000, $0x38;
	[tilespmem:$0x19000] =	vst v63  }
0x37: {  	_ = 	snop  }
0x38: {  	[hbm4b:s5+s3] =	stream.linear.scatter [tilespmem:s3], [sflag:$0x1], $0x19000, $0x38;
	[tilespmem:$0x19000] =	vst v63  }
0x39: {  	_ = 	snop  }
0x3a: {  	[hbm4b:s6+s3] =	stream.linear.scatter [tilespmem:s3], [sflag:$0x1], $0x19000, $0x38;
	[tilespmem:$0x19000] =	vst v63  }
0x3b: {  	_ = 	snop  }
0x3c: {  	[hbm4b:s7+s3] =	stream.linear.scatter [tilespmem:s3], [sflag:$0x1], $0x19000, $0x38;
	[tilespmem:$0x19000] =	vst v63  }
0x3d: {  	_ = 	snop  }
0x3e: {  	[hbm4b:s8+s3] =	stream.linear.scatter [tilespmem:s3], [sflag:$0x1], $0x19000, $0x38;
	[tilespmem:$0x19000] =	vst v63  }
0x3f: {  	_ = 	snop  }
0x40: {  	[hbm4b:s9+s3] =	stream.linear.scatter [tilespmem:s3], [sflag:$0x1], $0x19000, $0x38;
	[tilespmem:$0x19000] =	vst v63  }
0x41: {  	_ = 	snop  }
0x42: {  	[hbm4b:s10+s3] =	stream.linear.scatter [tilespmem:s3], [sflag:$0x1], $0x19000, $0x38;
	[tilespmem:$0x19000] =	vst v63  }
0x43: {  	_ = 	snop  }
0x44: {  	[hbm4b:s11+s3] =	stream.linear.scatter [tilespmem:s3], [sflag:$0x1], $0x19000, $0x38;
	[tilespmem:$0x19000] =	vst v63  }
0x45: {  	_ = 	snop  }
0x46: {  	[hbm4b:s12+s3] =	stream.linear.scatter [tilespmem:s3], [sflag:$0x1], $0x19000, $0x38;
	[tilespmem:$0x19000] =	vst v63  }
0x47: {  	_ = 	snop  }
0x48: {  	[hbm4b:s13+s3] =	stream.linear.scatter [tilespmem:s3], [sflag:$0x1], $0x19000, $0x38;
	[tilespmem:$0x19000] =	vst v63  }
0x49: {  	_ = 	snop  }
0x4a: {  	[hbm4b:s14+s3] =	stream.linear.scatter [tilespmem:s3], [sflag:$0x1], $0x19000, $0x38;
	[tilespmem:$0x19000] =	vst v63  }
0x4b: {  	_ = 	snop  }
0x4c: {  	[hbm4b:s16+s3] =	stream.linear.scatter [tilespmem:s3], [sflag:$0x1], $0x19000, $0x38;
	[tilespmem:$0x19000] =	vst v63  }
0x4d: {  	_ = 	snop  }
0x4e: {  	[hbm4b:s17+s3] =	stream.linear.scatter [tilespmem:s3], [sflag:$0x1], $0x19000, $0x38;
	[tilespmem:$0x19000] =	vst v63  }
0x4f: {  	_ = 	snop  }
0x50: {  	[hbm4b:s18+s3] =	stream.linear.scatter [tilespmem:s3], [sflag:$0x1], $0x19000, $0x38;
	[tilespmem:$0x19000] =	vst v63  }
0x51: {  	_ = 	snop  }
0x52: {  	[hbm4b:s19+s3] =	stream.linear.scatter [tilespmem:s3], [sflag:$0x1], $0x19000, $0x38;
	[tilespmem:$0x19000] =	vst v63  }
0x53: {  	_ =	swait.ge [sflag:s22], $0x19000  }
0x54: {  	[sflag:s22] =	ssyncset.done $0x0  }
0x55: {  	[sflag:s22] =	ssyncadd.s32 $0xFFFE7000  }
0x56: {  	_ =	swait.ge [sflag:s22], $0x19000  }
0x57: {  	[sflag:s22] =	ssyncset.done $0x0  }
0x58: {  	[sflag:s22] =	ssyncadd.s32 $0xFFFE7000  }
0x59: {  	_ =	swait.ge [sflag:s22], $0x19000  }
0x5a: {  	[sflag:s22] =	ssyncset.done $0x0  }
0x5b: {  	[sflag:s22] =	ssyncadd.s32 $0xFFFE7000  }
0x5c: {  	_ =	swait.ge [sflag:s22], $0x19000  }
0x5d: {  	[sflag:s22] =	ssyncset.done $0x0  }
0x5e: {  	[sflag:s22] =	ssyncadd.s32 $0xFFFE7000  }
0x5f: {  	_ =	swait.ge [sflag:s22], $0x19000  }
0x60: {  	[sflag:s22] =	ssyncset.done $0x0  }
0x61: {  	[sflag:s22] =	ssyncadd.s32 $0xFFFE7000  }
0x62: {  	_ =	swait.ge [sflag:s22], $0x19000  }
0x63: {  	[sflag:s22] =	ssyncset.done $0x0  }
0x64: {  	[sflag:s22] =	ssyncadd.s32 $0xFFFE7000  }
0x65: {  	_ =	swait.ge [sflag:s22], $0x19000  }
0x66: {  	[sflag:s22] =	ssyncset.done $0x0  }
0x67: {  	[sflag:s22] =	ssyncadd.s32 $0xFFFE7000  }
0x68: {  	_ =	swait.ge [sflag:s22], $0x19000  }
0x69: {  	[sflag:s22] =	ssyncset.done $0x0  }
0x6a: {  	[sflag:s22] =	ssyncadd.s32 $0xFFFE7000  }
0x6b: {  	_ =	swait.ge [sflag:s22], $0x19000  }
0x6c: {  	[sflag:s22] =	ssyncset.done $0x0  }
0x6d: {  	[sflag:s22] =	ssyncadd.s32 $0xFFFE7000  }
0x6e: {  	_ =	swait.ge [sflag:s22], $0x19000  }
0x6f: {  	[sflag:s22] =	ssyncset.done $0x0  }
0x70: {  	[sflag:s22] =	ssyncadd.s32 $0xFFFE7000  }
0x71: {  	_ =	swait.ge [sflag:s22], $0x19000  }
0x72: {  	[sflag:s22] =	ssyncset.done $0x0  }
0x73: {  	[sflag:s22] =	ssyncadd.s32 $0xFFFE7000  }
0x74: {  	_ =	swait.ge [sflag:s22], $0x19000  }
0x75: {  	[sflag:s22] =	ssyncset.done $0x0  }
0x76: {  	[sflag:s22] =	ssyncadd.s32 $0xFFFE7000  }
0x77: {  	_ =	swait.ge [sflag:s22], $0x19000  }
0x78: {  	[sflag:s22] =	ssyncset.done $0x0  }
0x79: {  	[sflag:s22] =	ssyncadd.s32 $0xFFFE7000  }
0x7a: {  	_ =	swait.ge [sflag:s22], $0x19000  }
0x7b: {  	[sflag:s22] =	ssyncset.done $0x0  }
0x7c: {  	s23 =	sadd.s32 $0x1, s23;
	[sflag:s22] =	ssyncadd.s32 $0xFFFE7000  }
0x7d: {  	p0 =	sne.s32 s23, s20;
	_ =	swait.ge [sflag:s22], $0x19000  }
.Ltmp2:
0x7e: {  	[sflag:s22] =	ssyncset.done $0x0;
	(pc) =	sbr.rel @p0 .LBB2_1-.Ltmp2, $4  }
0x7f: {  	[sflag:s22] =	ssyncadd.s32 $0xFFFE7000  }
0x80: {  	_ =	swait.ge [sflag:s22], $0x19000  }
0x81: {  	[sflag:s22] =	ssyncset.done $0x0  }
0x82: {  	[sflag:s22] =	ssyncadd.s32 $0xFFFE7000  }
0x83: {  	_ =	sfence.sel $0x180000  }
0x84: {  	[bflag:$0x0] =	sbarrier.arrive $0xFFFF  }
0x85: {  	p0 =	sne.s32 s0, $0x0;
	_ =	strace $0x90000047  }
0x86: {  	s0 =	sadd.s32 @!p0 $0x100000, s1;
	[bflag:$0x2] =	sbarrier.arrive $0xFFFF  }
0x87: {  	[sflag:s0] =	ssyncadd.tile.s32 @!p0 $0x1;
	_ =	shalt  }
.Lfunc_end2:
_tile_overlayer_lowered:
.L_overlay_start_2:
0x88: {  	(tag) =	ssettag $0x2  }
0x89: {  	s0 =	rddreg [dreg:$0x0];
	s2 =	stileid.u32  }
0x8a: {  	s1 =	rddreg [dreg:$0x1];
	p0 =	sne.s32 s2, $0x0  }
0x8b: {  	s3 =	rddreg [dreg:$0x2];
	[bflag:$0x3] =	sbarrier.arrive $0xFFFF;
	s2 =	simm.s32 @!p0 $0x1C02  }
0x8c: {  	[timem:s3], [sflag:s2] =	dma.local @!p0 [hbm:s0], s1  }
0x8d: {  	s0 =	simm.s32 @!p0 $0x2  }
0x8e: {  	_ =	swait.ge @!p0 [sflag:s0], s1  }
0x8f: {  	s1 =	ssub.s32 @!p0 $0x0, s1;
	[sflag:s0] =	ssyncset.done @!p0 $0x0  }
0x90: {  	[sflag:s0] =	ssyncadd.s32 @!p0 s1  }
0x91: {  	[bflag:$0x3] =	sbarrier.arrive $0xFFFF  }
0x92: {  	_ =	shalt  }

</sc_bundles>
